<compile_context>
chip_gen: v7x
topology: tpu7x:2x2x1
jax: 0.10.2.dev20260603
libtpu: 0.0.44.dev20260713+nightly
codegen_flags: <defaults>
</compile_context>

<pallas_src>
import functools

import jax
import jax.numpy as jnp
from jax import lax
from jax.experimental import pallas as pl
from jax.experimental.pallas import tpu as pltpu
from jax.experimental.pallas import tpu_sc as plsc

_VOCAB = 1000000
_EMBED = 64
_SEQ = 200
_BATCH = 4096
_LANES = 16

_NC, _NS = 2, 16
_NW = _NC * _NS
_BB = _BATCH // _NW


def _gather_body(xtf_hbm, table_hbm, mid_hbm,
                 idx0, idx1, g0, g1, semi0, semi1, semg0, semg1, semo0, semo1):
    w = lax.axis_index("s") * _NC + lax.axis_index("c")
    col0 = w * _BB
    idx = (idx0, idx1)
    G = (g0, g1)
    semi = (semi0, semi1)
    semg = (semg0, semg1)
    semo = (semo0, semo1)

    def fire_idx(t, b):
        pltpu.async_copy(
            xtf_hbm.at[pl.ds(t * _BATCH + col0, _BB)], idx[b], semi[b])

    def wait_idx(b):
        pltpu.make_async_copy(xtf_hbm.at[pl.ds(0, _BB)], idx[b], semi[b]).wait()

    def fire_gather(b):
        pltpu.async_copy(table_hbm.at[idx[b]], G[b], semg[b])

    def wait_gather(b):
        pltpu.make_async_copy(table_hbm.at[pl.ds(0, _BB)], G[b], semg[b]).wait()

    row_lo = lax.rem(col0, _BATCH // 2)
    half_lo = lax.div(col0, _BATCH // 2) * _EMBED

    def fire_out(t, b):
        pltpu.async_copy(
            G[b].at[:, pl.ds(0, _EMBED)],
            mid_hbm.at[t, pl.ds(row_lo, _BB), pl.ds(half_lo, _EMBED)],
            semo[b],
        )

    def wait_out(b):
        pltpu.make_async_copy(
            G[b].at[:, pl.ds(0, _EMBED)],
            mid_hbm.at[0, pl.ds(0, _BB), pl.ds(0, _EMBED)],
            semo[b],
        ).wait()

    fire_idx(0, 0)
    fire_idx(1, 1)
    wait_idx(0)
    fire_gather(0)

    @pl.loop(0, _SEQ, step=2)
    def _steps(t0):
        for b in range(2):
            t = t0 + b
            nb = 1 - b
            wait_gather(b)

            @pl.when(t + 2 < _SEQ)
            def _():
                fire_idx(t + 2, b)

            @pl.when(t >= 2)
            def _():
                wait_out(b)

            fire_out(t, b)

            @pl.when(t + 1 < _SEQ)
            def _():
                wait_idx(nb)
                fire_gather(nb)

    wait_out(0)
    wait_out(1)


_sc_gather = functools.partial(
    pl.kernel,
    out_type=jax.ShapeDtypeStruct((_SEQ, _BATCH // 2, 128), jnp.float32),
    mesh=plsc.VectorSubcoreMesh(core_axis_name="c", subcore_axis_name="s"),
    compiler_params=pltpu.CompilerParams(
        use_tc_tiling_on_sc=False, needs_layout_passes=False),
    scratch_types=[
        pltpu.VMEM((_BB,), jnp.int32),
        pltpu.VMEM((_BB,), jnp.int32),
        pltpu.VMEM((_BB, 128), jnp.float32),
        pltpu.VMEM((_BB, 128), jnp.float32),
        pltpu.SemaphoreType.DMA,
        pltpu.SemaphoreType.DMA,
        pltpu.SemaphoreType.DMA,
        pltpu.SemaphoreType.DMA,
        pltpu.SemaphoreType.DMA,
        pltpu.SemaphoreType.DMA,
    ],
)(_gather_body)


def _eye64():
    r = lax.broadcasted_iota(jnp.int32, (_EMBED, _EMBED), 0)
    c = lax.broadcasted_iota(jnp.int32, (_EMBED, _EMBED), 1)
    return jnp.where(r == c, 1.0, 0.0).astype(jnp.float32)


_TBLK = 16384


def _fmt_body(tt_ref, out_ref):
    out_ref[:, : _EMBED] = jax.lax.dot_general(
        tt_ref[...], _eye64(), (((0,), (0,)), ((), ())),
        preferred_element_type=jnp.float32)


_table_fmt = pl.pallas_call(
    _fmt_body,
    grid=(pl.cdiv(_VOCAB, _TBLK),),
    in_specs=[pl.BlockSpec((_EMBED, _TBLK), lambda i: (0, i))],
    out_specs=pl.BlockSpec((_TBLK, 128), lambda i: (i, 0)),
    out_shape=jax.ShapeDtypeStruct((_VOCAB, 128), jnp.float32),
)


_FT = 4


def _fin_body(mid_ref, pe_ref, out_ref):
    eye = _eye64()
    t0 = pl.program_id(0) * _FT
    for tt in range(_FT):
        ib = mid_ref[tt]
        p = pe_ref[t0 + tt][:, None]
        a = jax.lax.dot_general(eye, ib[:, : _EMBED], (((1,), (1,)), ((), ())),
                                preferred_element_type=jnp.float32)
        bm = jax.lax.dot_general(eye, ib[:, _EMBED:], (((1,), (1,)), ((), ())),
                                 preferred_element_type=jnp.float32)
        out_ref[tt, :, : _BATCH // 2] = a + p
        out_ref[tt, :, _BATCH // 2 :] = bm + p


_finish = pl.pallas_call(
    _fin_body,
    grid=(_SEQ // _FT,),
    in_specs=[
        pl.BlockSpec((_FT, _BATCH // 2, 128), lambda i: (i, 0, 0)),
        pl.BlockSpec((_SEQ, _EMBED), lambda i: (0, 0)),
    ],
    out_specs=pl.BlockSpec((_FT, _EMBED, _BATCH), lambda i: (i, 0, 0)),
    out_shape=jax.ShapeDtypeStruct((_SEQ, _EMBED, _BATCH), jnp.float32),
)


def kernel(x, table, pe):
    xtf = jnp.transpose(x).reshape(_SEQ * _BATCH)
    table2 = _table_fmt(jnp.transpose(table))
    mid = _sc_gather(xtf, table2)
    out3 = _finish(mid, pe)
    return out3.transpose((2, 0, 1))

# --- scband reference (transcript-rebuilt; emitter-appended) ---
"""Pipeline reference for scband-input-embedding-34694745817490 (READ-ONLY COPY).

The authoritative reference and input builder live on the scoring server;
editing this copy changes nothing except your own understanding.
"""

import jax, jax.numpy as jnp
import numpy as np

VOCAB = 1000000
EMBED = 64
TOKEN_LEN = 200
BATCH = 4096
SEQ = 200

def setup_inputs(seed: int = 0) -> dict:
    key = jax.random.key(seed)
    k1, k2, k3 = jax.random.split(key, 3)
    x = jax.random.randint(k1, (BATCH, SEQ), 0, VOCAB, dtype=jnp.int64 if jax.config.jax_enable_x64 else jnp.int32).astype(jnp.int32)
    table = jax.random.normal(k2, (VOCAB, EMBED), dtype=jnp.float32) * 0.02
    pe = jax.random.normal(k3, (TOKEN_LEN, EMBED), dtype=jnp.float32) * 0.02
    return {"x": x, "table": table, "pe": pe}

def reference(x, table, pe):
    # token embedding lookup
    token_embeddings = jnp.take(table, x, axis=0)            # [B, T, D]
    positions = jnp.arange(x.shape[1], dtype=jnp.int32)      # [T]
    positional_embeddings = jnp.take(pe, positions, axis=0)  # [T, D]
    # dropout is identity at inference
    result = token_embeddings + positional_embeddings[None, :, :]
    return result

if __name__ == "__main__":
    import jax
    _d = setup_inputs()
    print(jax.jit(kernel)(*tuple(_d.values())))

</pallas_src>

<mosaic_0001>
#map = affine_map<(d0, d1) -> (0)>
#map1 = affine_map<(d0, d1) -> (0, 0)>
#map2 = affine_map<(d0, d1) -> (0, 0, 0)>
module attributes {stable_mosaic.version = 14 : i64} {
  func.func @_gather_body(%arg0: i32, %arg1: i32, %arg2: memref<819200xi32, #tpu.memory_space<hbm>>, %arg3: memref<1000000x128xf32, #tpu.memory_space<hbm>>, %arg4: memref<200x2048x128xf32, #tpu.memory_space<hbm>>, %arg5: memref<128xi32, #tpu.memory_space<vmem>>, %arg6: memref<128xi32, #tpu.memory_space<vmem>>, %arg7: memref<128x128xf32, #tpu.memory_space<vmem>>, %arg8: memref<128x128xf32, #tpu.memory_space<vmem>>, %arg9: memref<!tpu.dma_semaphore, #tpu.memory_space<semaphore_mem>>, %arg10: memref<!tpu.dma_semaphore, #tpu.memory_space<semaphore_mem>>, %arg11: memref<!tpu.dma_semaphore, #tpu.memory_space<semaphore_mem>>, %arg12: memref<!tpu.dma_semaphore, #tpu.memory_space<semaphore_mem>>, %arg13: memref<!tpu.dma_semaphore, #tpu.memory_space<semaphore_mem>>, %arg14: memref<!tpu.dma_semaphore, #tpu.memory_space<semaphore_mem>>) attributes {dimension_semantics = [#tpu.dimension_semantics<core_parallel>, #tpu.dimension_semantics<subcore_parallel>], iteration_bounds = array<i64: 2, 16>, scalar_prefetch = 0 : i64, scratch_operands = 10 : i64, tpu.core_type = #tpu.core_type<sc_vector_subcore>, window_params = [{transform_indices = #map}, {transform_indices = #map1}, {transform_indices = #map2}]} {
    %mul3A = arith.constant 2 : i32
    %mul3A_0 = arith.muli %arg1, %mul3A : i32
    %add3A = arith.addi %mul3A_0, %arg0 : i32
    %mul3A_1 = arith.constant 128 : i32
    %mul3A_2 = arith.muli %add3A, %mul3A_1 : i32
    %rem3A = arith.constant 2048 : i32
    %rem3A_3 = arith.remsi %mul3A_2, %rem3A : i32
    %div3A = arith.constant 2048 : i32
    %div3A_4 = arith.divsi %mul3A_2, %div3A : i32
    %mul3A_5 = arith.constant 64 : i32
    %mul3A_6 = arith.muli %div3A_4, %mul3A_5 : i32
    %add3A_7 = arith.constant 0 : i32
    %add3A_8 = arith.addi %add3A_7, %mul3A_2 : i32
    %dma_start3A = tpu.memref_slice %arg2[%add3A_8] : memref<819200xi32, #tpu.memory_space<hbm>> -> memref<128xi32, #tpu.memory_space<hbm>>
    %dma_start3A_9 = tpu.memref_slice %arg2[%add3A_8] : memref<819200xi32, #tpu.memory_space<hbm>> -> memref<128xi32, #tpu.memory_space<hbm>>
    tpu.enqueue_dma source(%dma_start3A_9 : memref<128xi32, #tpu.memory_space<hbm>>) target(%arg5 : memref<128xi32, #tpu.memory_space<vmem>>) target_semaphore(%arg9 : memref<!tpu.dma_semaphore, #tpu.memory_space<semaphore_mem>>)
    %add3A_10 = arith.constant 4096 : i32
    %add3A_11 = arith.addi %add3A_10, %mul3A_2 : i32
    %dma_start3A_12 = tpu.memref_slice %arg2[%add3A_11] : memref<819200xi32, #tpu.memory_space<hbm>> -> memref<128xi32, #tpu.memory_space<hbm>>
    %dma_start3A_13 = tpu.memref_slice %arg2[%add3A_11] : memref<819200xi32, #tpu.memory_space<hbm>> -> memref<128xi32, #tpu.memory_space<hbm>>
    tpu.enqueue_dma source(%dma_start3A_13 : memref<128xi32, #tpu.memory_space<hbm>>) target(%arg6 : memref<128xi32, #tpu.memory_space<vmem>>) target_semaphore(%arg10 : memref<!tpu.dma_semaphore, #tpu.memory_space<semaphore_mem>>)
    %dma_wait3A = arith.constant 0 : i32
    %dma_wait3A_14 = tpu.memref_slice %arg2[%dma_wait3A] : memref<819200xi32, #tpu.memory_space<hbm>> -> memref<128xi32, #tpu.memory_space<hbm>>
    %dma_wait3A_15 = arith.constant 0 : i32
    %dma_wait3A_16 = tpu.memref_slice %arg2[%dma_wait3A_15] : memref<819200xi32, #tpu.memory_space<hbm>> -> memref<128xi32, #tpu.memory_space<hbm>>
    tpu.wait_dma2 semaphore(%arg9 : memref<!tpu.dma_semaphore, #tpu.memory_space<semaphore_mem>>) src(%dma_wait3A_16 : memref<128xi32, #tpu.memory_space<hbm>>) dst(%arg5 : memref<128xi32, #tpu.memory_space<vmem>>)
    %dma_start3A_17 = arith.constant 0 : i32
    %dma_start3A_18 = arith.constant 0 : i32
    %dma_start3A_19 = tpu.memref_slice %arg3[%dma_start3A_17, %dma_start3A_18] : memref<1000000x128xf32, #tpu.memory_space<hbm>> -> memref<1000000x128xf32, #tpu.memory_space<hbm>>
    tpu.enqueue_indirect_dma source(%dma_start3A_19 : memref<1000000x128xf32, #tpu.memory_space<hbm>>) target(%arg7 : memref<128x128xf32, #tpu.memory_space<vmem>>) offsets(%arg5 : memref<128xi32, #tpu.memory_space<vmem>>) semaphore(%arg11 : memref<!tpu.dma_semaphore, #tpu.memory_space<semaphore_mem>>)
    %scan3A = arith.constant 0 : i32
    %scan3A_20 = arith.constant 100 : i32
    %scan3A_21 = arith.addi %scan3A, %scan3A_20 : i32
    %scan3A_22 = arith.constant 1 : i32
    scf.for %scan3A_54 = %scan3A to %scan3A_21 step %scan3A_22  : i32 {
      %mul3A_55 = arith.constant 2 : i32
      %mul3A_56 = arith.muli %scan3A_54, %mul3A_55 : i32
      %add3A_57 = arith.constant 0 : i32
      %add3A_58 = arith.addi %add3A_57, %mul3A_56 : i32
      %add3A_59 = arith.constant 0 : i32
      %add3A_60 = arith.addi %add3A_58, %add3A_59 : i32
      %dma_wait3A_61 = arith.constant 0 : i32
      %dma_wait3A_62 = arith.constant 0 : i32
      %dma_wait3A_63 = tpu.memref_slice %arg3[%dma_wait3A_61, %dma_wait3A_62] : memref<1000000x128xf32, #tpu.memory_space<hbm>> -> memref<128x128xf32, #tpu.memory_space<hbm>>
      %dma_wait3A_64 = arith.constant 0 : i32
      %dma_wait3A_65 = arith.constant 0 : i32
      %dma_wait3A_66 = tpu.memref_slice %arg3[%dma_wait3A_64, %dma_wait3A_65] : memref<1000000x128xf32, #tpu.memory_space<hbm>> -> memref<128x128xf32, #tpu.memory_space<hbm>>
      tpu.wait_dma2 semaphore(%arg11 : memref<!tpu.dma_semaphore, #tpu.memory_space<semaphore_mem>>) src(%dma_wait3A_66 : memref<128x128xf32, #tpu.memory_space<hbm>>) dst(%arg7 : memref<128x128xf32, #tpu.memory_space<vmem>>)
      %add3A_67 = arith.constant 2 : i32
      %add3A_68 = arith.addi %add3A_60, %add3A_67 : i32
      %lt3A = arith.constant 200 : i32
      %lt3A_69 = arith.cmpi slt, %add3A_68, %lt3A : i32
      %convert_element_type3A = arith.extui %lt3A_69 : i1 to i32
      %cond3A = arith.constant 0 : i32
      %cond3A_70 = arith.cmpi ne, %convert_element_type3A, %cond3A : i32
      scf.if %cond3A_70 {
        %add3A_129 = arith.constant 2 : i32
        %add3A_130 = arith.addi %add3A_60, %add3A_129 : i32
        %mul3A_131 = arith.constant 4096 : i32
        %mul3A_132 = arith.muli %add3A_130, %mul3A_131 : i32
        %add3A_133 = arith.addi %mul3A_132, %mul3A_2 : i32
        %dma_start3A_134 = tpu.memref_slice %arg2[%add3A_133] : memref<819200xi32, #tpu.memory_space<hbm>> -> memref<128xi32, #tpu.memory_space<hbm>>
        %dma_start3A_135 = tpu.memref_slice %arg2[%add3A_133] : memref<819200xi32, #tpu.memory_space<hbm>> -> memref<128xi32, #tpu.memory_space<hbm>>
        tpu.enqueue_dma source(%dma_start3A_135 : memref<128xi32, #tpu.memory_space<hbm>>) target(%arg5 : memref<128xi32, #tpu.memory_space<vmem>>) target_semaphore(%arg9 : memref<!tpu.dma_semaphore, #tpu.memory_space<semaphore_mem>>)
      } else {
      }
      %ge3A = arith.constant 2 : i32
      %ge3A_71 = arith.cmpi sge, %add3A_60, %ge3A : i32
      %convert_element_type3A_72 = arith.extui %ge3A_71 : i1 to i32
      %cond3A_73 = arith.constant 0 : i32
      %cond3A_74 = arith.cmpi ne, %convert_element_type3A_72, %cond3A_73 : i32
      scf.if %cond3A_74 {
        %dma_wait3A_129 = arith.constant 0 : i32
        %dma_wait3A_130 = arith.constant 0 : i32
        %dma_wait3A_131 = arith.constant 0 : i32
        %dma_wait3A_132 = tpu.memref_slice %arg7[%dma_wait3A_130, %dma_wait3A_131] : memref<128x128xf32, #tpu.memory_space<vmem>> -> memref<128x64xf32, #tpu.memory_space<vmem>>
        %dma_wait3A_133 = arith.constant 0 : i32
        %dma_wait3A_134 = arith.constant 0 : i32
        %dma_wait3A_135 = tpu.memref_slice %arg4[%dma_wait3A_129, %dma_wait3A_133, %dma_wait3A_134] : memref<200x2048x128xf32, #tpu.memory_space<hbm>> -> memref<1x128x64xf32, #tpu.memory_space<hbm>>
        %dma_wait3A_136 = tpu.memref_squeeze %dma_wait3A_135 : memref<1x128x64xf32, #tpu.memory_space<hbm>> -> memref<128x64xf32, #tpu.memory_space<hbm>>
        %dma_wait3A_137 = arith.constant 0 : i32
        %dma_wait3A_138 = arith.constant 0 : i32
        %dma_wait3A_139 = tpu.memref_slice %arg4[%dma_wait3A_129, %dma_wait3A_137, %dma_wait3A_138] : memref<200x2048x128xf32, #tpu.memory_space<hbm>> -> memref<1x128x64xf32, #tpu.memory_space<hbm>>
        %dma_wait3A_140 = tpu.memref_squeeze %dma_wait3A_139 : memref<1x128x64xf32, #tpu.memory_space<hbm>> -> memref<128x64xf32, #tpu.memory_space<hbm>>
        %dma_wait3A_141 = arith.constant 0 : i32
        %dma_wait3A_142 = arith.constant 0 : i32
        %dma_wait3A_143 = tpu.memref_slice %arg7[%dma_wait3A_141, %dma_wait3A_142] : memref<128x128xf32, #tpu.memory_space<vmem>> -> memref<128x64xf32, #tpu.memory_space<vmem>>
        tpu.wait_dma2 semaphore(%arg13 : memref<!tpu.dma_semaphore, #tpu.memory_space<semaphore_mem>>) src(%dma_wait3A_143 : memref<128x64xf32, #tpu.memory_space<vmem>>) dst(%dma_wait3A_140 : memref<128x64xf32, #tpu.memory_space<hbm>>)
      } else {
      }
      %dma_start3A_75 = arith.constant 0 : i32
      %dma_start3A_76 = arith.constant 0 : i32
      %dma_start3A_77 = tpu.memref_slice %arg7[%dma_start3A_75, %dma_start3A_76] : memref<128x128xf32, #tpu.memory_space<vmem>> -> memref<128x64xf32, #tpu.memory_space<vmem>>
      %dma_start3A_78 = tpu.memref_slice %arg4[%add3A_60, %rem3A_3, %mul3A_6] : memref<200x2048x128xf32, #tpu.memory_space<hbm>> -> memref<1x128x64xf32, #tpu.memory_space<hbm>>
      %dma_start3A_79 = tpu.memref_squeeze %dma_start3A_78 : memref<1x128x64xf32, #tpu.memory_space<hbm>> -> memref<128x64xf32, #tpu.memory_space<hbm>>
      %dma_start3A_80 = tpu.memref_slice %arg4[%add3A_60, %rem3A_3, %mul3A_6] : memref<200x2048x128xf32, #tpu.memory_space<hbm>> -> memref<1x128x64xf32, #tpu.memory_space<hbm>>
      %dma_start3A_81 = tpu.memref_squeeze %dma_start3A_80 : memref<1x128x64xf32, #tpu.memory_space<hbm>> -> memref<128x64xf32, #tpu.memory_space<hbm>>
      %dma_start3A_82 = arith.constant 0 : i32
      %dma_start3A_83 = arith.constant 0 : i32
      %dma_start3A_84 = tpu.memref_slice %arg7[%dma_start3A_82, %dma_start3A_83] : memref<128x128xf32, #tpu.memory_space<vmem>> -> memref<128x64xf32, #tpu.memory_space<vmem>>
      tpu.enqueue_dma source(%dma_start3A_84 : memref<128x64xf32, #tpu.memory_space<vmem>>) target(%dma_start3A_81 : memref<128x64xf32, #tpu.memory_space<hbm>>) target_semaphore(%arg13 : memref<!tpu.dma_semaphore, #tpu.memory_space<semaphore_mem>>)
      %add3A_85 = arith.constant 1 : i32
      %add3A_86 = arith.addi %add3A_60, %add3A_85 : i32
      %lt3A_87 = arith.constant 200 : i32
      %lt3A_88 = arith.cmpi slt, %add3A_86, %lt3A_87 : i32
      %convert_element_type3A_89 = arith.extui %lt3A_88 : i1 to i32
      %cond3A_90 = arith.constant 0 : i32
      %cond3A_91 = arith.cmpi ne, %convert_element_type3A_89, %cond3A_90 : i32
      scf.if %cond3A_91 {
        %dma_wait3A_129 = arith.constant 0 : i32
        %dma_wait3A_130 = tpu.memref_slice %arg2[%dma_wait3A_129] : memref<819200xi32, #tpu.memory_space<hbm>> -> memref<128xi32, #tpu.memory_space<hbm>>
        %dma_wait3A_131 = arith.constant 0 : i32
        %dma_wait3A_132 = tpu.memref_slice %arg2[%dma_wait3A_131] : memref<819200xi32, #tpu.memory_space<hbm>> -> memref<128xi32, #tpu.memory_space<hbm>>
        tpu.wait_dma2 semaphore(%arg10 : memref<!tpu.dma_semaphore, #tpu.memory_space<semaphore_mem>>) src(%dma_wait3A_132 : memref<128xi32, #tpu.memory_space<hbm>>) dst(%arg6 : memref<128xi32, #tpu.memory_space<vmem>>)
        %dma_start3A_133 = arith.constant 0 : i32
        %dma_start3A_134 = arith.constant 0 : i32
        %dma_start3A_135 = tpu.memref_slice %arg3[%dma_start3A_133, %dma_start3A_134] : memref<1000000x128xf32, #tpu.memory_space<hbm>> -> memref<1000000x128xf32, #tpu.memory_space<hbm>>
        tpu.enqueue_indirect_dma source(%dma_start3A_135 : memref<1000000x128xf32, #tpu.memory_space<hbm>>) target(%arg8 : memref<128x128xf32, #tpu.memory_space<vmem>>) offsets(%arg6 : memref<128xi32, #tpu.memory_space<vmem>>) semaphore(%arg12 : memref<!tpu.dma_semaphore, #tpu.memory_space<semaphore_mem>>)
      } else {
      }
      %add3A_92 = arith.constant 1 : i32
      %add3A_93 = arith.addi %add3A_58, %add3A_92 : i32
      %dma_wait3A_94 = arith.constant 0 : i32
      %dma_wait3A_95 = arith.constant 0 : i32
      %dma_wait3A_96 = tpu.memref_slice %arg3[%dma_wait3A_94, %dma_wait3A_95] : memref<1000000x128xf32, #tpu.memory_space<hbm>> -> memref<128x128xf32, #tpu.memory_space<hbm>>
      %dma_wait3A_97 = arith.constant 0 : i32
      %dma_wait3A_98 = arith.constant 0 : i32
      %dma_wait3A_99 = tpu.memref_slice %arg3[%dma_wait3A_97, %dma_wait3A_98] : memref<1000000x128xf32, #tpu.memory_space<hbm>> -> memref<128x128xf32, #tpu.memory_space<hbm>>
      tpu.wait_dma2 semaphore(%arg12 : memref<!tpu.dma_semaphore, #tpu.memory_space<semaphore_mem>>) src(%dma_wait3A_99 : memref<128x128xf32, #tpu.memory_space<hbm>>) dst(%arg8 : memref<128x128xf32, #tpu.memory_space<vmem>>)
      %add3A_100 = arith.constant 2 : i32
      %add3A_101 = arith.addi %add3A_93, %add3A_100 : i32
      %lt3A_102 = arith.constant 200 : i32
      %lt3A_103 = arith.cmpi slt, %add3A_101, %lt3A_102 : i32
      %convert_element_type3A_104 = arith.extui %lt3A_103 : i1 to i32
      %cond3A_105 = arith.constant 0 : i32
      %cond3A_106 = arith.cmpi ne, %convert_element_type3A_104, %cond3A_105 : i32
      scf.if %cond3A_106 {
        %add3A_129 = arith.constant 2 : i32
        %add3A_130 = arith.addi %add3A_93, %add3A_129 : i32
        %mul3A_131 = arith.constant 4096 : i32
        %mul3A_132 = arith.muli %add3A_130, %mul3A_131 : i32
        %add3A_133 = arith.addi %mul3A_132, %mul3A_2 : i32
        %dma_start3A_134 = tpu.memref_slice %arg2[%add3A_133] : memref<819200xi32, #tpu.memory_space<hbm>> -> memref<128xi32, #tpu.memory_space<hbm>>
        %dma_start3A_135 = tpu.memref_slice %arg2[%add3A_133] : memref<819200xi32, #tpu.memory_space<hbm>> -> memref<128xi32, #tpu.memory_space<hbm>>
        tpu.enqueue_dma source(%dma_start3A_135 : memref<128xi32, #tpu.memory_space<hbm>>) target(%arg6 : memref<128xi32, #tpu.memory_space<vmem>>) target_semaphore(%arg10 : memref<!tpu.dma_semaphore, #tpu.memory_space<semaphore_mem>>)
      } else {
      }
      %ge3A_107 = arith.constant 2 : i32
      %ge3A_108 = arith.cmpi sge, %add3A_93, %ge3A_107 : i32
      %convert_element_type3A_109 = arith.extui %ge3A_108 : i1 to i32
      %cond3A_110 = arith.constant 0 : i32
      %cond3A_111 = arith.cmpi ne, %convert_element_type3A_109, %cond3A_110 : i32
      scf.if %cond3A_111 {
        %dma_wait3A_129 = arith.constant 0 : i32
        %dma_wait3A_130 = arith.constant 0 : i32
        %dma_wait3A_131 = arith.constant 0 : i32
        %dma_wait3A_132 = tpu.memref_slice %arg8[%dma_wait3A_130, %dma_wait3A_131] : memref<128x128xf32, #tpu.memory_space<vmem>> -> memref<128x64xf32, #tpu.memory_space<vmem>>
        %dma_wait3A_133 = arith.constant 0 : i32
        %dma_wait3A_134 = arith.constant 0 : i32
        %dma_wait3A_135 = tpu.memref_slice %arg4[%dma_wait3A_129, %dma_wait3A_133, %dma_wait3A_134] : memref<200x2048x128xf32, #tpu.memory_space<hbm>> -> memref<1x128x64xf32, #tpu.memory_space<hbm>>
        %dma_wait3A_136 = tpu.memref_squeeze %dma_wait3A_135 : memref<1x128x64xf32, #tpu.memory_space<hbm>> -> memref<128x64xf32, #tpu.memory_space<hbm>>
        %dma_wait3A_137 = arith.constant 0 : i32
        %dma_wait3A_138 = arith.constant 0 : i32
        %dma_wait3A_139 = tpu.memref_slice %arg4[%dma_wait3A_129, %dma_wait3A_137, %dma_wait3A_138] : memref<200x2048x128xf32, #tpu.memory_space<hbm>> -> memref<1x128x64xf32, #tpu.memory_space<hbm>>
        %dma_wait3A_140 = tpu.memref_squeeze %dma_wait3A_139 : memref<1x128x64xf32, #tpu.memory_space<hbm>> -> memref<128x64xf32, #tpu.memory_space<hbm>>
        %dma_wait3A_141 = arith.constant 0 : i32
        %dma_wait3A_142 = arith.constant 0 : i32
        %dma_wait3A_143 = tpu.memref_slice %arg8[%dma_wait3A_141, %dma_wait3A_142] : memref<128x128xf32, #tpu.memory_space<vmem>> -> memref<128x64xf32, #tpu.memory_space<vmem>>
        tpu.wait_dma2 semaphore(%arg14 : memref<!tpu.dma_semaphore, #tpu.memory_space<semaphore_mem>>) src(%dma_wait3A_143 : memref<128x64xf32, #tpu.memory_space<vmem>>) dst(%dma_wait3A_140 : memref<128x64xf32, #tpu.memory_space<hbm>>)
      } else {
      }
      %dma_start3A_112 = arith.constant 0 : i32
      %dma_start3A_113 = arith.constant 0 : i32
      %dma_start3A_114 = tpu.memref_slice %arg8[%dma_start3A_112, %dma_start3A_113] : memref<128x128xf32, #tpu.memory_space<vmem>> -> memref<128x64xf32, #tpu.memory_space<vmem>>
      %dma_start3A_115 = tpu.memref_slice %arg4[%add3A_93, %rem3A_3, %mul3A_6] : memref<200x2048x128xf32, #tpu.memory_space<hbm>> -> memref<1x128x64xf32, #tpu.memory_space<hbm>>
      %dma_start3A_116 = tpu.memref_squeeze %dma_start3A_115 : memref<1x128x64xf32, #tpu.memory_space<hbm>> -> memref<128x64xf32, #tpu.memory_space<hbm>>
      %dma_start3A_117 = tpu.memref_slice %arg4[%add3A_93, %rem3A_3, %mul3A_6] : memref<200x2048x128xf32, #tpu.memory_space<hbm>> -> memref<1x128x64xf32, #tpu.memory_space<hbm>>
      %dma_start3A_118 = tpu.memref_squeeze %dma_start3A_117 : memref<1x128x64xf32, #tpu.memory_space<hbm>> -> memref<128x64xf32, #tpu.memory_space<hbm>>
      %dma_start3A_119 = arith.constant 0 : i32
      %dma_start3A_120 = arith.constant 0 : i32
      %dma_start3A_121 = tpu.memref_slice %arg8[%dma_start3A_119, %dma_start3A_120] : memref<128x128xf32, #tpu.memory_space<vmem>> -> memref<128x64xf32, #tpu.memory_space<vmem>>
      tpu.enqueue_dma source(%dma_start3A_121 : memref<128x64xf32, #tpu.memory_space<vmem>>) target(%dma_start3A_118 : memref<128x64xf32, #tpu.memory_space<hbm>>) target_semaphore(%arg14 : memref<!tpu.dma_semaphore, #tpu.memory_space<semaphore_mem>>)
      %add3A_122 = arith.constant 1 : i32
      %add3A_123 = arith.addi %add3A_93, %add3A_122 : i32
      %lt3A_124 = arith.constant 200 : i32
      %lt3A_125 = arith.cmpi slt, %add3A_123, %lt3A_124 : i32
      %convert_element_type3A_126 = arith.extui %lt3A_125 : i1 to i32
      %cond3A_127 = arith.constant 0 : i32
      %cond3A_128 = arith.cmpi ne, %convert_element_type3A_126, %cond3A_127 : i32
      scf.if %cond3A_128 {
        %dma_wait3A_129 = arith.constant 0 : i32
        %dma_wait3A_130 = tpu.memref_slice %arg2[%dma_wait3A_129] : memref<819200xi32, #tpu.memory_space<hbm>> -> memref<128xi32, #tpu.memory_space<hbm>>
        %dma_wait3A_131 = arith.constant 0 : i32
        %dma_wait3A_132 = tpu.memref_slice %arg2[%dma_wait3A_131] : memref<819200xi32, #tpu.memory_space<hbm>> -> memref<128xi32, #tpu.memory_space<hbm>>
        tpu.wait_dma2 semaphore(%arg9 : memref<!tpu.dma_semaphore, #tpu.memory_space<semaphore_mem>>) src(%dma_wait3A_132 : memref<128xi32, #tpu.memory_space<hbm>>) dst(%arg5 : memref<128xi32, #tpu.memory_space<vmem>>)
        %dma_start3A_133 = arith.constant 0 : i32
        %dma_start3A_134 = arith.constant 0 : i32
        %dma_start3A_135 = tpu.memref_slice %arg3[%dma_start3A_133, %dma_start3A_134] : memref<1000000x128xf32, #tpu.memory_space<hbm>> -> memref<1000000x128xf32, #tpu.memory_space<hbm>>
        tpu.enqueue_indirect_dma source(%dma_start3A_135 : memref<1000000x128xf32, #tpu.memory_space<hbm>>) target(%arg7 : memref<128x128xf32, #tpu.memory_space<vmem>>) offsets(%arg5 : memref<128xi32, #tpu.memory_space<vmem>>) semaphore(%arg11 : memref<!tpu.dma_semaphore, #tpu.memory_space<semaphore_mem>>)
      } else {
      }
    }
    %scan3A_23 = arith.constant 100 : i32
    %dma_wait3A_24 = arith.constant 0 : i32
    %dma_wait3A_25 = arith.constant 0 : i32
    %dma_wait3A_26 = arith.constant 0 : i32
    %dma_wait3A_27 = tpu.memref_slice %arg7[%dma_wait3A_25, %dma_wait3A_26] : memref<128x128xf32, #tpu.memory_space<vmem>> -> memref<128x64xf32, #tpu.memory_space<vmem>>
    %dma_wait3A_28 = arith.constant 0 : i32
    %dma_wait3A_29 = arith.constant 0 : i32
    %dma_wait3A_30 = tpu.memref_slice %arg4[%dma_wait3A_24, %dma_wait3A_28, %dma_wait3A_29] : memref<200x2048x128xf32, #tpu.memory_space<hbm>> -> memref<1x128x64xf32, #tpu.memory_space<hbm>>
    %dma_wait3A_31 = tpu.memref_squeeze %dma_wait3A_30 : memref<1x128x64xf32, #tpu.memory_space<hbm>> -> memref<128x64xf32, #tpu.memory_space<hbm>>
    %dma_wait3A_32 = arith.constant 0 : i32
    %dma_wait3A_33 = arith.constant 0 : i32
    %dma_wait3A_34 = tpu.memref_slice %arg4[%dma_wait3A_24, %dma_wait3A_32, %dma_wait3A_33] : memref<200x2048x128xf32, #tpu.memory_space<hbm>> -> memref<1x128x64xf32, #tpu.memory_space<hbm>>
    %dma_wait3A_35 = tpu.memref_squeeze %dma_wait3A_34 : memref<1x128x64xf32, #tpu.memory_space<hbm>> -> memref<128x64xf32, #tpu.memory_space<hbm>>
    %dma_wait3A_36 = arith.constant 0 : i32
    %dma_wait3A_37 = arith.constant 0 : i32
    %dma_wait3A_38 = tpu.memref_slice %arg7[%dma_wait3A_36, %dma_wait3A_37] : memref<128x128xf32, #tpu.memory_space<vmem>> -> memref<128x64xf32, #tpu.memory_space<vmem>>
    tpu.wait_dma2 semaphore(%arg13 : memref<!tpu.dma_semaphore, #tpu.memory_space<semaphore_mem>>) src(%dma_wait3A_38 : memref<128x64xf32, #tpu.memory_space<vmem>>) dst(%dma_wait3A_35 : memref<128x64xf32, #tpu.memory_space<hbm>>)
    %dma_wait3A_39 = arith.constant 0 : i32
    %dma_wait3A_40 = arith.constant 0 : i32
    %dma_wait3A_41 = arith.constant 0 : i32
    %dma_wait3A_42 = tpu.memref_slice %arg8[%dma_wait3A_40, %dma_wait3A_41] : memref<128x128xf32, #tpu.memory_space<vmem>> -> memref<128x64xf32, #tpu.memory_space<vmem>>
    %dma_wait3A_43 = arith.constant 0 : i32
    %dma_wait3A_44 = arith.constant 0 : i32
    %dma_wait3A_45 = tpu.memref_slice %arg4[%dma_wait3A_39, %dma_wait3A_43, %dma_wait3A_44] : memref<200x2048x128xf32, #tpu.memory_space<hbm>> -> memref<1x128x64xf32, #tpu.memory_space<hbm>>
    %dma_wait3A_46 = tpu.memref_squeeze %dma_wait3A_45 : memref<1x128x64xf32, #tpu.memory_space<hbm>> -> memref<128x64xf32, #tpu.memory_space<hbm>>
    %dma_wait3A_47 = arith.constant 0 : i32
    %dma_wait3A_48 = arith.constant 0 : i32
    %dma_wait3A_49 = tpu.memref_slice %arg4[%dma_wait3A_39, %dma_wait3A_47, %dma_wait3A_48] : memref<200x2048x128xf32, #tpu.memory_space<hbm>> -> memref<1x128x64xf32, #tpu.memory_space<hbm>>
    %dma_wait3A_50 = tpu.memref_squeeze %dma_wait3A_49 : memref<1x128x64xf32, #tpu.memory_space<hbm>> -> memref<128x64xf32, #tpu.memory_space<hbm>>
    %dma_wait3A_51 = arith.constant 0 : i32
    %dma_wait3A_52 = arith.constant 0 : i32
    %dma_wait3A_53 = tpu.memref_slice %arg8[%dma_wait3A_51, %dma_wait3A_52] : memref<128x128xf32, #tpu.memory_space<vmem>> -> memref<128x64xf32, #tpu.memory_space<vmem>>
    tpu.wait_dma2 semaphore(%arg14 : memref<!tpu.dma_semaphore, #tpu.memory_space<semaphore_mem>>) src(%dma_wait3A_53 : memref<128x64xf32, #tpu.memory_space<vmem>>) dst(%dma_wait3A_50 : memref<128x64xf32, #tpu.memory_space<hbm>>)
    return
  }
}

module attributes {stable_mosaic.version = 14 : i64} {
  func.func @_fin_body(%arg0: i32, %arg1: memref<4x2048x128xf32, #tpu.memory_space<vmem>>, %arg2: memref<200x64xf32, #tpu.memory_space<vmem>>, %arg3: memref<4x64x4096xf32, #tpu.memory_space<vmem>>) attributes {dimension_semantics = [#tpu.dimension_semantics<arbitrary>], iteration_bounds = array<i64: 50>, scalar_prefetch = 0 : i64, scratch_operands = 0 : i64, tpu.core_type = #tpu.core_type<tc>, window_params = [{transform_indices = @transform_0, window_bounds = array<i64: 4, 2048, 128>}, {pipeline_mode = #tpu.pipeline_mode<synchronous>, transform_indices = @transform_1, window_bounds = array<i64: 200, 64>}, {transform_indices = @transform_2, window_bounds = array<i64: 4, 64, 4096>}]} {
    %iota3A = tpu.iota {dimensions = array<i32: 0>} : vector<64x64xi32>
    %iota3A_0 = tpu.iota {dimensions = array<i32: 1>} : vector<64x64xi32>
    %eq3A = arith.cmpi eq, %iota3A, %iota3A_0 : vector<64x64xi32>
    %jit3A = arith.constant 1.000000e+00 : f32
    %jit3A_1 = arith.constant 0.000000e+00 : f32
    %broadcast_in_dim3A = vector.broadcast %jit3A : f32 to vector<64x64xf32>
    %broadcast_in_dim3A_2 = vector.broadcast %jit3A_1 : f32 to vector<64x64xf32>
    %select_n3A = arith.select %eq3A, %broadcast_in_dim3A, %broadcast_in_dim3A_2 : vector<64x64xi1>, vector<64x64xf32>
    %mul3A = arith.constant 4 : i32
    %mul3A_3 = arith.muli %arg0, %mul3A : i32
    %get3A = arith.constant 0 : index
    %get3A_4 = arith.constant 0 : index
    %get3A_5 = arith.constant 0 : index
    %get3A_6 = vector.load %arg1[%get3A, %get3A_4, %get3A_5] : memref<4x2048x128xf32, #tpu.memory_space<vmem>>, vector<1x2048x128xf32>
    %get3A_7 = vector.shape_cast %get3A_6 : vector<1x2048x128xf32> to vector<2048x128xf32>
    %add3A = arith.constant 0 : i32
    %add3A_8 = arith.addi %mul3A_3, %add3A : i32
    %get3A_9 = arith.index_cast %add3A_8 : i32 to index
    %get3A_10 = arith.constant 0 : index
    %get3A_11 = vector.load %arg2[%get3A_9, %get3A_10] : memref<200x64xf32, #tpu.memory_space<vmem>>, vector<1x64xf32>
    %get3A_12 = vector.shape_cast %get3A_11 : vector<1x64xf32> to vector<64xf32>
    %broadcast_in_dim3A_13 = vector.shape_cast %get3A_12 : vector<64xf32> to vector<64x1xf32>
    %slice3A = vector.extract_strided_slice %get3A_7 {offsets = [0, 0], sizes = [2048, 64], strides = [1, 1]} : vector<2048x128xf32> to vector<2048x64xf32>
    %dot_general3A = arith.constant dense<0.000000e+00> : vector<64x2048xf32>
    %dot_general3A_14 = tpu.matmul %select_n3A, %slice3A, %dot_general3A {dimension_numbers = #tpu.dot_dimension_numbers<[1], [1], [0], [0], [0, 0, 1, 0], [], []>, transpose_lhs_hint = false} : vector<64x64xf32>, vector<2048x64xf32>, vector<64x2048xf32> -> vector<64x2048xf32>
    %slice3A_15 = vector.extract_strided_slice %get3A_7 {offsets = [0, 64], sizes = [2048, 64], strides = [1, 1]} : vector<2048x128xf32> to vector<2048x64xf32>
    %dot_general3A_16 = arith.constant dense<0.000000e+00> : vector<64x2048xf32>
    %dot_general3A_17 = tpu.matmul %select_n3A, %slice3A_15, %dot_general3A_16 {dimension_numbers = #tpu.dot_dimension_numbers<[1], [1], [0], [0], [0, 0, 1, 0], [], []>, transpose_lhs_hint = false} : vector<64x64xf32>, vector<2048x64xf32>, vector<64x2048xf32> -> vector<64x2048xf32>
    %add3A_18 = vector.broadcast %broadcast_in_dim3A_13 : vector<64x1xf32> to vector<64x2048xf32>
    %add3A_19 = arith.addf %dot_general3A_14, %add3A_18 : vector<64x2048xf32>
    %swap3A = arith.constant 0 : index
    %swap3A_20 = arith.constant 0 : index
    %swap3A_21 = arith.constant 0 : index
    %swap3A_22 = vector.load %arg3[%swap3A, %swap3A_20, %swap3A_21] : memref<4x64x4096xf32, #tpu.memory_space<vmem>>, vector<1x64x2048xf32>
    %swap3A_23 = vector.shape_cast %swap3A_22 : vector<1x64x2048xf32> to vector<64x2048xf32>
    %swap3A_24 = vector.shape_cast %add3A_19 : vector<64x2048xf32> to vector<1x64x2048xf32>
    tpu.vector_store %arg3[%swap3A, %swap3A_20, %swap3A_21], %swap3A_24 {strides = array<i32>} : memref<4x64x4096xf32, #tpu.memory_space<vmem>>, vector<1x64x2048xf32>,
    %add3A_25 = vector.broadcast %broadcast_in_dim3A_13 : vector<64x1xf32> to vector<64x2048xf32>
    %add3A_26 = arith.addf %dot_general3A_17, %add3A_25 : vector<64x2048xf32>
    %swap3A_27 = arith.constant 0 : index
    %swap3A_28 = arith.constant 0 : index
    %swap3A_29 = arith.constant 2048 : index
    %swap3A_30 = vector.load %arg3[%swap3A_27, %swap3A_28, %swap3A_29] : memref<4x64x4096xf32, #tpu.memory_space<vmem>>, vector<1x64x2048xf32>
    %swap3A_31 = vector.shape_cast %swap3A_30 : vector<1x64x2048xf32> to vector<64x2048xf32>
    %swap3A_32 = vector.shape_cast %add3A_26 : vector<64x2048xf32> to vector<1x64x2048xf32>
    tpu.vector_store %arg3[%swap3A_27, %swap3A_28, %swap3A_29], %swap3A_32 {strides = array<i32>} : memref<4x64x4096xf32, #tpu.memory_space<vmem>>, vector<1x64x2048xf32>,
    %get3A_33 = arith.constant 1 : index
    %get3A_34 = arith.constant 0 : index
    %get3A_35 = arith.constant 0 : index
    %get3A_36 = vector.load %arg1[%get3A_33, %get3A_34, %get3A_35] : memref<4x2048x128xf32, #tpu.memory_space<vmem>>, vector<1x2048x128xf32>
    %get3A_37 = vector.shape_cast %get3A_36 : vector<1x2048x128xf32> to vector<2048x128xf32>
    %add3A_38 = arith.constant 1 : i32
    %add3A_39 = arith.addi %mul3A_3, %add3A_38 : i32
    %get3A_40 = arith.index_cast %add3A_39 : i32 to index
    %get3A_41 = arith.constant 0 : index
    %get3A_42 = vector.load %arg2[%get3A_40, %get3A_41] : memref<200x64xf32, #tpu.memory_space<vmem>>, vector<1x64xf32>
    %get3A_43 = vector.shape_cast %get3A_42 : vector<1x64xf32> to vector<64xf32>
    %broadcast_in_dim3A_44 = vector.shape_cast %get3A_43 : vector<64xf32> to vector<64x1xf32>
    %slice3A_45 = vector.extract_strided_slice %get3A_37 {offsets = [0, 0], sizes = [2048, 64], strides = [1, 1]} : vector<2048x128xf32> to vector<2048x64xf32>
    %dot_general3A_46 = arith.constant dense<0.000000e+00> : vector<64x2048xf32>
    %dot_general3A_47 = tpu.matmul %select_n3A, %slice3A_45, %dot_general3A_46 {dimension_numbers = #tpu.dot_dimension_numbers<[1], [1], [0], [0], [0, 0, 1, 0], [], []>, transpose_lhs_hint = false} : vector<64x64xf32>, vector<2048x64xf32>, vector<64x2048xf32> -> vector<64x2048xf32>
    %slice3A_48 = vector.extract_strided_slice %get3A_37 {offsets = [0, 64], sizes = [2048, 64], strides = [1, 1]} : vector<2048x128xf32> to vector<2048x64xf32>
    %dot_general3A_49 = arith.constant dense<0.000000e+00> : vector<64x2048xf32>
    %dot_general3A_50 = tpu.matmul %select_n3A, %slice3A_48, %dot_general3A_49 {dimension_numbers = #tpu.dot_dimension_numbers<[1], [1], [0], [0], [0, 0, 1, 0], [], []>, transpose_lhs_hint = false} : vector<64x64xf32>, vector<2048x64xf32>, vector<64x2048xf32> -> vector<64x2048xf32>
    %add3A_51 = vector.broadcast %broadcast_in_dim3A_44 : vector<64x1xf32> to vector<64x2048xf32>
    %add3A_52 = arith.addf %dot_general3A_47, %add3A_51 : vector<64x2048xf32>
    %swap3A_53 = arith.constant 1 : index
    %swap3A_54 = arith.constant 0 : index
    %swap3A_55 = arith.constant 0 : index
    %swap3A_56 = vector.load %arg3[%swap3A_53, %swap3A_54, %swap3A_55] : memref<4x64x4096xf32, #tpu.memory_space<vmem>>, vector<1x64x2048xf32>
    %swap3A_57 = vector.shape_cast %swap3A_56 : vector<1x64x2048xf32> to vector<64x2048xf32>
    %swap3A_58 = vector.shape_cast %add3A_52 : vector<64x2048xf32> to vector<1x64x2048xf32>
    tpu.vector_store %arg3[%swap3A_53, %swap3A_54, %swap3A_55], %swap3A_58 {strides = array<i32>} : memref<4x64x4096xf32, #tpu.memory_space<vmem>>, vector<1x64x2048xf32>,
    %add3A_59 = vector.broadcast %broadcast_in_dim3A_44 : vector<64x1xf32> to vector<64x2048xf32>
    %add3A_60 = arith.addf %dot_general3A_50, %add3A_59 : vector<64x2048xf32>
    %swap3A_61 = arith.constant 1 : index
    %swap3A_62 = arith.constant 0 : index
    %swap3A_63 = arith.constant 2048 : index
    %swap3A_64 = vector.load %arg3[%swap3A_61, %swap3A_62, %swap3A_63] : memref<4x64x4096xf32, #tpu.memory_space<vmem>>, vector<1x64x2048xf32>
    %swap3A_65 = vector.shape_cast %swap3A_64 : vector<1x64x2048xf32> to vector<64x2048xf32>
    %swap3A_66 = vector.shape_cast %add3A_60 : vector<64x2048xf32> to vector<1x64x2048xf32>
    tpu.vector_store %arg3[%swap3A_61, %swap3A_62, %swap3A_63], %swap3A_66 {strides = array<i32>} : memref<4x64x4096xf32, #tpu.memory_space<vmem>>, vector<1x64x2048xf32>,
    %get3A_67 = arith.constant 2 : index
    %get3A_68 = arith.constant 0 : index
    %get3A_69 = arith.constant 0 : index
    %get3A_70 = vector.load %arg1[%get3A_67, %get3A_68, %get3A_69] : memref<4x2048x128xf32, #tpu.memory_space<vmem>>, vector<1x2048x128xf32>
    %get3A_71 = vector.shape_cast %get3A_70 : vector<1x2048x128xf32> to vector<2048x128xf32>
    %add3A_72 = arith.constant 2 : i32
    %add3A_73 = arith.addi %mul3A_3, %add3A_72 : i32
    %get3A_74 = arith.index_cast %add3A_73 : i32 to index
    %get3A_75 = arith.constant 0 : index
    %get3A_76 = vector.load %arg2[%get3A_74, %get3A_75] : memref<200x64xf32, #tpu.memory_space<vmem>>, vector<1x64xf32>
    %get3A_77 = vector.shape_cast %get3A_76 : vector<1x64xf32> to vector<64xf32>
    %broadcast_in_dim3A_78 = vector.shape_cast %get3A_77 : vector<64xf32> to vector<64x1xf32>
    %slice3A_79 = vector.extract_strided_slice %get3A_71 {offsets = [0, 0], sizes = [2048, 64], strides = [1, 1]} : vector<2048x128xf32> to vector<2048x64xf32>
    %dot_general3A_80 = arith.constant dense<0.000000e+00> : vector<64x2048xf32>
    %dot_general3A_81 = tpu.matmul %select_n3A, %slice3A_79, %dot_general3A_80 {dimension_numbers = #tpu.dot_dimension_numbers<[1], [1], [0], [0], [0, 0, 1, 0], [], []>, transpose_lhs_hint = false} : vector<64x64xf32>, vector<2048x64xf32>, vector<64x2048xf32> -> vector<64x2048xf32>
    %slice3A_82 = vector.extract_strided_slice %get3A_71 {offsets = [0, 64], sizes = [2048, 64], strides = [1, 1]} : vector<2048x128xf32> to vector<2048x64xf32>
    %dot_general3A_83 = arith.constant dense<0.000000e+00> : vector<64x2048xf32>
    %dot_general3A_84 = tpu.matmul %select_n3A, %slice3A_82, %dot_general3A_83 {dimension_numbers = #tpu.dot_dimension_numbers<[1], [1], [0], [0], [0, 0, 1, 0], [], []>, transpose_lhs_hint = false} : vector<64x64xf32>, vector<2048x64xf32>, vector<64x2048xf32> -> vector<64x2048xf32>
    %add3A_85 = vector.broadcast %broadcast_in_dim3A_78 : vector<64x1xf32> to vector<64x2048xf32>
    %add3A_86 = arith.addf %dot_general3A_81, %add3A_85 : vector<64x2048xf32>
    %swap3A_87 = arith.constant 2 : index
    %swap3A_88 = arith.constant 0 : index
    %swap3A_89 = arith.constant 0 : index
    %swap3A_90 = vector.load %arg3[%swap3A_87, %swap3A_88, %swap3A_89] : memref<4x64x4096xf32, #tpu.memory_space<vmem>>, vector<1x64x2048xf32>
    %swap3A_91 = vector.shape_cast %swap3A_90 : vector<1x64x2048xf32> to vector<64x2048xf32>
    %swap3A_92 = vector.shape_cast %add3A_86 : vector<64x2048xf32> to vector<1x64x2048xf32>
    tpu.vector_store %arg3[%swap3A_87, %swap3A_88, %swap3A_89], %swap3A_92 {strides = array<i32>} : memref<4x64x4096xf32, #tpu.memory_space<vmem>>, vector<1x64x2048xf32>,
    %add3A_93 = vector.broadcast %broadcast_in_dim3A_78 : vector<64x1xf32> to vector<64x2048xf32>
    %add3A_94 = arith.addf %dot_general3A_84, %add3A_93 : vector<64x2048xf32>
    %swap3A_95 = arith.constant 2 : index
    %swap3A_96 = arith.constant 0 : index
    %swap3A_97 = arith.constant 2048 : index
    %swap3A_98 = vector.load %arg3[%swap3A_95, %swap3A_96, %swap3A_97] : memref<4x64x4096xf32, #tpu.memory_space<vmem>>, vector<1x64x2048xf32>
    %swap3A_99 = vector.shape_cast %swap3A_98 : vector<1x64x2048xf32> to vector<64x2048xf32>
    %swap3A_100 = vector.shape_cast %add3A_94 : vector<64x2048xf32> to vector<1x64x2048xf32>
    tpu.vector_store %arg3[%swap3A_95, %swap3A_96, %swap3A_97], %swap3A_100 {strides = array<i32>} : memref<4x64x4096xf32, #tpu.memory_space<vmem>>, vector<1x64x2048xf32>,
    %get3A_101 = arith.constant 3 : index
    %get3A_102 = arith.constant 0 : index
    %get3A_103 = arith.constant 0 : index
    %get3A_104 = vector.load %arg1[%get3A_101, %get3A_102, %get3A_103] : memref<4x2048x128xf32, #tpu.memory_space<vmem>>, vector<1x2048x128xf32>
    %get3A_105 = vector.shape_cast %get3A_104 : vector<1x2048x128xf32> to vector<2048x128xf32>
    %add3A_106 = arith.constant 3 : i32
    %add3A_107 = arith.addi %mul3A_3, %add3A_106 : i32
    %get3A_108 = arith.index_cast %add3A_107 : i32 to index
    %get3A_109 = arith.constant 0 : index
    %get3A_110 = vector.load %arg2[%get3A_108, %get3A_109] : memref<200x64xf32, #tpu.memory_space<vmem>>, vector<1x64xf32>
    %get3A_111 = vector.shape_cast %get3A_110 : vector<1x64xf32> to vector<64xf32>
    %broadcast_in_dim3A_112 = vector.shape_cast %get3A_111 : vector<64xf32> to vector<64x1xf32>
    %slice3A_113 = vector.extract_strided_slice %get3A_105 {offsets = [0, 0], sizes = [2048, 64], strides = [1, 1]} : vector<2048x128xf32> to vector<2048x64xf32>
    %dot_general3A_114 = arith.constant dense<0.000000e+00> : vector<64x2048xf32>
    %dot_general3A_115 = tpu.matmul %select_n3A, %slice3A_113, %dot_general3A_114 {dimension_numbers = #tpu.dot_dimension_numbers<[1], [1], [0], [0], [0, 0, 1, 0], [], []>, transpose_lhs_hint = false} : vector<64x64xf32>, vector<2048x64xf32>, vector<64x2048xf32> -> vector<64x2048xf32>
    %slice3A_116 = vector.extract_strided_slice %get3A_105 {offsets = [0, 64], sizes = [2048, 64], strides = [1, 1]} : vector<2048x128xf32> to vector<2048x64xf32>
    %dot_general3A_117 = arith.constant dense<0.000000e+00> : vector<64x2048xf32>
    %dot_general3A_118 = tpu.matmul %select_n3A, %slice3A_116, %dot_general3A_117 {dimension_numbers = #tpu.dot_dimension_numbers<[1], [1], [0], [0], [0, 0, 1, 0], [], []>, transpose_lhs_hint = false} : vector<64x64xf32>, vector<2048x64xf32>, vector<64x2048xf32> -> vector<64x2048xf32>
    %add3A_119 = vector.broadcast %broadcast_in_dim3A_112 : vector<64x1xf32> to vector<64x2048xf32>
    %add3A_120 = arith.addf %dot_general3A_115, %add3A_119 : vector<64x2048xf32>
    %swap3A_121 = arith.constant 3 : index
    %swap3A_122 = arith.constant 0 : index
    %swap3A_123 = arith.constant 0 : index
    %swap3A_124 = vector.load %arg3[%swap3A_121, %swap3A_122, %swap3A_123] : memref<4x64x4096xf32, #tpu.memory_space<vmem>>, vector<1x64x2048xf32>
    %swap3A_125 = vector.shape_cast %swap3A_124 : vector<1x64x2048xf32> to vector<64x2048xf32>
    %swap3A_126 = vector.shape_cast %add3A_120 : vector<64x2048xf32> to vector<1x64x2048xf32>
    tpu.vector_store %arg3[%swap3A_121, %swap3A_122, %swap3A_123], %swap3A_126 {strides = array<i32>} : memref<4x64x4096xf32, #tpu.memory_space<vmem>>, vector<1x64x2048xf32>,
    %add3A_127 = vector.broadcast %broadcast_in_dim3A_112 : vector<64x1xf32> to vector<64x2048xf32>
    %add3A_128 = arith.addf %dot_general3A_118, %add3A_127 : vector<64x2048xf32>
    %swap3A_129 = arith.constant 3 : index
    %swap3A_130 = arith.constant 0 : index
    %swap3A_131 = arith.constant 2048 : index
    %swap3A_132 = vector.load %arg3[%swap3A_129, %swap3A_130, %swap3A_131] : memref<4x64x4096xf32, #tpu.memory_space<vmem>>, vector<1x64x2048xf32>
    %swap3A_133 = vector.shape_cast %swap3A_132 : vector<1x64x2048xf32> to vector<64x2048xf32>
    %swap3A_134 = vector.shape_cast %add3A_128 : vector<64x2048xf32> to vector<1x64x2048xf32>
    tpu.vector_store %arg3[%swap3A_129, %swap3A_130, %swap3A_131], %swap3A_134 {strides = array<i32>} : memref<4x64x4096xf32, #tpu.memory_space<vmem>>, vector<1x64x2048xf32>,
    return
  }
  func.func @transform_0(%arg0: i32) -> (i32, i32, i32) {
    %c0_i32 = arith.constant 0 : i32
    %c0_i32_0 = arith.constant 0 : i32
    %c0_i32_1 = arith.constant 0 : i32
    return %arg0, %c0_i32, %c0_i32_0 : i32, i32, i32
  }
  func.func @transform_1(%arg0: i32) -> (i32, i32) {
    %c0_i32 = arith.constant 0 : i32
    %c0_i32_0 = arith.constant 0 : i32
    %c0_i32_1 = arith.constant 0 : i32
    return %c0_i32, %c0_i32_0 : i32, i32
  }
  func.func @transform_2(%arg0: i32) -> (i32, i32, i32) {
    %c0_i32 = arith.constant 0 : i32
    %c0_i32_0 = arith.constant 0 : i32
    %c0_i32_1 = arith.constant 0 : i32
    return %arg0, %c0_i32, %c0_i32_0 : i32, i32, i32
  }
}

module attributes {stable_mosaic.version = 14 : i64} {
  func.func @_fmt_body(%arg0: i32, %arg1: memref<64x16384xf32, #tpu.memory_space<vmem>>, %arg2: memref<16384x128xf32, #tpu.memory_space<vmem>>) attributes {dimension_semantics = [#tpu.dimension_semantics<arbitrary>], iteration_bounds = array<i64: 62>, scalar_prefetch = 0 : i64, scratch_operands = 0 : i64, tpu.core_type = #tpu.core_type<tc>, window_params = [{transform_indices = @transform_0, window_bounds = array<i64: 64, 16384>}, {transform_indices = @transform_1, window_bounds = array<i64: 16384, 128>}]} {
    %get3A = arith.constant 0 : index
    %get3A_0 = arith.constant 0 : index
    %get3A_1 = vector.load %arg1[%get3A, %get3A_0] : memref<64x16384xf32, #tpu.memory_space<vmem>>, vector<64x16384xf32>
    %iota3A = tpu.iota {dimensions = array<i32: 0>} : vector<64x64xi32>
    %iota3A_2 = tpu.iota {dimensions = array<i32: 1>} : vector<64x64xi32>
    %eq3A = arith.cmpi eq, %iota3A, %iota3A_2 : vector<64x64xi32>
    %jit3A = arith.constant 1.000000e+00 : f32
    %jit3A_3 = arith.constant 0.000000e+00 : f32
    %broadcast_in_dim3A = vector.broadcast %jit3A : f32 to vector<64x64xf32>
    %broadcast_in_dim3A_4 = vector.broadcast %jit3A_3 : f32 to vector<64x64xf32>
    %select_n3A = arith.select %eq3A, %broadcast_in_dim3A, %broadcast_in_dim3A_4 : vector<64x64xi1>, vector<64x64xf32>
    %dot_general3A = arith.constant dense<0.000000e+00> : vector<16384x64xf32>
    %dot_general3A_5 = tpu.matmul %get3A_1, %select_n3A, %dot_general3A {dimension_numbers = #tpu.dot_dimension_numbers<[0], [0], [1], [1], [0, 1, 1, 1], [], []>, transpose_lhs_hint = false} : vector<64x16384xf32>, vector<64x64xf32>, vector<16384x64xf32> -> vector<16384x64xf32>
    %swap3A = arith.constant 0 : index
    %swap3A_6 = arith.constant 0 : index
    %swap3A_7 = vector.load %arg2[%swap3A, %swap3A_6] : memref<16384x128xf32, #tpu.memory_space<vmem>>, vector<16384x64xf32>
    tpu.vector_store %arg2[%swap3A, %swap3A_6], %dot_general3A_5 {strides = array<i32>} : memref<16384x128xf32, #tpu.memory_space<vmem>>, vector<16384x64xf32>,
    return
  }
  func.func @transform_0(%arg0: i32) -> (i32, i32) {
    %c0_i32 = arith.constant 0 : i32
    %c0_i32_0 = arith.constant 0 : i32
    return %c0_i32, %arg0 : i32, i32
  }
  func.func @transform_1(%arg0: i32) -> (i32, i32) {
    %c0_i32 = arith.constant 0 : i32
    %c0_i32_0 = arith.constant 0 : i32
    return %arg0, %c0_i32 : i32, i32
  }
}

</mosaic_0001>

<sc_bundles>
// kernel: kernel.5.cloned.1.call-start
scs
__scs_entry_jumppad:
0x0: {  	(pc) =	sbr.rel $0x88, $3  }
0x1: {  	(tag) =	ssettag $0x0;
	lr =	simm.s32 $0x1  }
0x2: {  	[smem:$0x3F9E] =	sst lr;
	_ =	strace $0xD0000000  }
0x3: {  	_ = 	snop  }
0x4: {  	_ = 	snop  }
0x5: {  	_ = 	snop  }
0x6: {  	_ = 	snop  }
0x7: {  	_ = 	snop  }
__scs_overlays_trampoline_lowered:
0x8: {  	[smem:$0x3FAD] =	sst s0  }
0x9: {  	[smem:$0x3FAE] =	sst s1  }
0xa: {  	[smem:$0x3FAF] =	sst s2  }
0xb: {  	[smem:$0x3FB0] =	sst s3  }
0xc: {  	[smem:$0x3FB1] =	sst s4  }
0xd: {  	[smem:$0x3FB2] =	sst s5  }
0xe: {  	[smem:$0x3FB3] =	sst s6  }
0xf: {  	[smem:$0x3FB4] =	sst s7  }
0x10: {  	[smem:$0x3FB5] =	sst s8  }
0x11: {  	[smem:$0x3FB6] =	sst s9;
	s0 =	simm.s32 @!p0 $0x0  }
0x12: {  	s1 =	sld [smem:$0x3F9C];
	s0 =	simm.s32 @p0 $0x1  }
0x13: {  	[smem:$0x3FB7] =	sst s0;
	s0 =	simm.s32 @!p1 $0x0  }
0x14: {  	s2 =	sld [smem:$0x3F9B];
	s0 =	simm.s32 @p1 $0x1  }
0x15: {  	[smem:$0x3FB8] =	sst s0;
	s0 =	simm.s32 @!p2 $0x0  }
0x16: {  	s3 =	sld [smem:$0x3FDB];
	s0 =	simm.s32 @p2 $0x1  }
0x17: {  	s4 =	simm.s32 $0x1BF5;
	[smem:$0x3FBA] =	sst s0  }
0x18: {  	s0 =	sld [smem:$0x3F9D];
	_ =	swait.ge [sflag:s4], $0x0  }
0x19: {  	s7 =	sld [smem:$0x3F9E]  }
0x1a: {  	s8 =	sadd.s32 $0xFFFFE003, lr  }
0x1b: {  	s9 =	sadd.s32 $0xFFFFFEF7, lr;
	s5 =	simm.s32 $0xFFFFFFFF;
	p2 =	slt.u32 s8, $0xFFFFF086  }
0x1c: {  	p1 =	slt.u32 s9, $0xF7A;
	s5 =	simm.s32 @!p2 $0x0  }
0x1d: {  	s5 =	simm.s32 @p1 $0x1;
	p0 =	seq.s32 s7, s2  }
0x1e: {  	s7 =	smul.u32 @!p0 $0xF7A, s2;
	p2 =	seq.s32 @!p0 s5, $0x0  }
0x1f: {  	s9 =	smul.u32 $0xF7A, s1;
	s8 =	simm.s32 @!p0 $0x1BF5;
	p2 =	por !p2, p0  }
0x20: {  	[sflag:s8] =	ssyncset.s32 @!p0 $0xFFFFF086;
	s6 =	sadd.s32 @!p0 s3, s7;
	s7 =	simm.s32 @!p0 $0x108  }
0x21: {  	s3 =	sadd.s32 s3, s9;
	s6 =	sadd.s32 @!p0 $0x88, s6;
	s7 =	simm.s32 @p2 $0x1082  }
0x22: {  	[simem:s7], [sflag:s8] =	dma.local @!p0 [hbm:s6], $0xF7A  }
0x23: {  	s9 =	sor.u32 $0xD0000000, s2;
	s6 =	simm.s32 $0x108;
	_ =	swait.ge @!p0 [sflag:s8], $0x0  }
0x24: {  	s3 =	sadd.s32 $0x88, s3;
	s6 =	simm.s32 @!p1 $0x1082;
	[sflag:s4] =	ssyncset.s32 $0xFFFFF086  }
0x25: {  	[simem:s6], [sflag:s4] =	dma.local [hbm:s3], $0xF7A  }
0x26: {  	[smem:$0x3F9E] =	sst s1;
	(tag) =	ssettag s2;
	_ =	strace s9  }
0x27: {  	s1 =	sld [smem:$0x3FAE]  }
0x28: {  	s2 =	sld [smem:$0x3FAF]  }
0x29: {  	s4 =	sld [smem:$0x3FB1]  }
0x2a: {  	p0 =	seq.s32 s5, $0x0;
	s5 =	sld [smem:$0x3FB2]  }
0x2b: {  	s6 =	sld [smem:$0x3FB3]  }
0x2c: {  	s7 =	sld [smem:$0x3FB4]  }
0x2d: {  	s3 =	simm.s32 $0x108;
	s8 =	sld [smem:$0x3FB5]  }
0x2e: {  	s3 =	simm.s32 @!p0 $0x1082;
	s9 =	sld [smem:$0x3FB6]  }
0x2f: {  	lr =	sadd.s32 s0, s3;
	s0 =	sld [smem:$0x3FAD]  }
0x30: {  	s3 =	sld [smem:$0x3FB0]  }
0x31: {  	[smem:$0x3FB9] =	sst s10  }
0x32: {  	s10 =	sld [smem:$0x3FB7];
	_ =	sdelay $0x3  }
0x33: {  	p0 =	seq.s32 s10, $0x1;
	s10 =	sld [smem:$0x3FB9];
	_ =	sdelay $0x3  }
0x34: {  	[smem:$0x3FB9] =	sst s10  }
0x35: {  	s10 =	sld [smem:$0x3FB8];
	_ =	sdelay $0x3  }
0x36: {  	p1 =	seq.s32 s10, $0x1;
	s10 =	sld [smem:$0x3FB9];
	_ =	sdelay $0x3  }
0x37: {  	[smem:$0x3FB9] =	sst s10  }
0x38: {  	s10 =	sld [smem:$0x3FBA]  }
0x39: {  	_ = 	snop;
	(pc) =	sbr.ind lr, $3  }
0x3a: {  	_ = 	snop  }
0x3b: {  	_ = 	snop  }
0x3c: {  	p2 =	seq.s32 s10, $0x1;
	s10 =	sld [smem:$0x3FB9]  }
0x3d: {  	_ =	shalt  }
0x3e: {  	_ =	shalt  }
0x3f: {  	_ =	shalt  }
0x40: {  	_ =	shalt  }
0x41: {  	_ =	shalt  }
0x42: {  	_ =	shalt  }
0x43: {  	_ =	shalt  }
0x44: {  	_ =	shalt  }
0x45: {  	_ =	shalt  }
0x46: {  	_ =	shalt  }
0x47: {  	_ =	shalt  }
0x48: {  	_ =	shalt  }
0x49: {  	_ =	shalt  }
0x4a: {  	_ =	shalt  }
0x4b: {  	_ =	shalt  }
0x4c: {  	_ =	shalt  }
0x4d: {  	_ =	shalt  }
0x4e: {  	_ =	shalt  }
0x4f: {  	_ =	shalt  }
0x50: {  	_ =	shalt  }
0x51: {  	_ =	shalt  }
0x52: {  	_ =	shalt  }
0x53: {  	_ =	shalt  }
0x54: {  	_ =	shalt  }
0x55: {  	_ =	shalt  }
0x56: {  	_ =	shalt  }
0x57: {  	_ =	shalt  }
0x58: {  	_ =	shalt  }
0x59: {  	_ =	shalt  }
0x5a: {  	_ =	shalt  }
0x5b: {  	_ =	shalt  }
0x5c: {  	_ =	shalt  }
0x5d: {  	_ =	shalt  }
0x5e: {  	_ =	shalt  }
0x5f: {  	_ =	shalt  }
0x60: {  	_ =	shalt  }
0x61: {  	_ =	shalt  }
0x62: {  	_ =	shalt  }
0x63: {  	_ =	shalt  }
0x64: {  	_ =	shalt  }
0x65: {  	_ =	shalt  }
0x66: {  	_ =	shalt  }
0x67: {  	_ =	shalt  }
0x68: {  	_ =	shalt  }
0x69: {  	_ =	shalt  }
0x6a: {  	_ =	shalt  }
0x6b: {  	_ =	shalt  }
0x6c: {  	_ =	shalt  }
0x6d: {  	_ =	shalt  }
0x6e: {  	_ =	shalt  }
0x6f: {  	_ =	shalt  }
0x70: {  	_ =	shalt  }
0x71: {  	_ =	shalt  }
0x72: {  	_ =	shalt  }
0x73: {  	_ =	shalt  }
0x74: {  	_ =	shalt  }
0x75: {  	_ =	shalt  }
0x76: {  	_ =	shalt  }
0x77: {  	_ =	shalt  }
0x78: {  	_ =	shalt  }
0x79: {  	_ =	shalt  }
0x7a: {  	_ =	shalt  }
0x7b: {  	_ =	shalt  }
0x7c: {  	_ =	shalt  }
0x7d: {  	_ =	shalt  }
0x7e: {  	_ =	shalt  }
0x7f: {  	_ =	shalt  }
0x80: {  	_ =	shalt  }
0x81: {  	_ =	shalt  }
0x82: {  	_ =	shalt  }
0x83: {  	_ =	shalt  }
0x84: {  	_ =	shalt  }
0x85: {  	_ =	shalt  }
0x86: {  	_ =	shalt  }
0x87: {  	_ =	shalt  }
.Lfunc_end0:
.L_simem_size_0:
called_computation_lowered:
.L_overlay_start_0:
0x88: {  	s2 =	sld [smem:$0x3FD9]  }
0x89: {  	s3 =	sld [smem:$0x3FFE];
	_ =	sdelay $0x1  }
0x8a: {  	s1 =	srdreg.scid  }
0x8b: {  	s0 =	sand.u32 $0x1, s1  }
0x8c: {  	s17 =	sshll.u32 s0, $0xA;
	s2 =	sadd.s32 s3, s2  }
0x8d: {  	s2 =	sadd.s32 s2, s17  }
0x8e: {  	[smem:$0x3FC5] =	sst s2  }
0x8f: {  	_ = 	snop  }
0x90: {  	s2 =	sld [smem:$0x3FD0];
	(tm) =	ssettm $0x1  }
0x91: {  	s18 =	sld [smem:$0x3FFB];
	_ =	sdelay $0x3  }
0x92: {  	_ =	strace s18  }
0x93: {  	s3 =	sld [smem:$0x3FFC];
	_ =	sdelay $0x3  }
0x94: {  	_ =	strace s3  }
0x95: {  	s3 =	sld [smem:$0x3FFD];
	_ =	sdelay $0x3  }
0x96: {  	_ =	strace s3  }
0x97: {  	_ =	strace $0x8FFFFFFF  }
0x98: {  	s19 =	sld [smem:$0x3FDB];
	_ =	sdelay $0x1  }
0x99: {  	s4 =	simm.s32 $_scs_section_size  }
0x9a: {  	s5 =	simm.s32 $_size__tile_overlayer_lowered;
	s6 =	simm.s32 $_tile_overlayer_lowered  }
0x9b: {  	s22 =	simm.s32 $0x1BFF;
	s21 =	sshll.u32 s6, $0x1;
	s3 =	sadd.s32 s4, s19  }
0x9c: {  	s7 =	simm.s32 $0x0;
	s20 =	sshll.u32 s5, $0x1;
	s5 =	sadd.s32 s21, s3  }
0x9d: {  	[timem:s7], [sflag:s22] =	dma.local [hbm:s5], s20  }
0x9e: {  	_ =	swait.ge [sflag:s22], s20  }
0x9f: {  	s4 =	ssub.s32 $0x0, s20;
	[sflag:s22] =	ssyncset.done $0x0  }
0xa0: {  	[sflag:s22] =	ssyncadd.s32 s4;
	_ =	sdelay $0x1  }
0xa1: {  	s23 =	simm.s32 $0x1B8B  }
0xa2: {  	_ =	swait.ge [sflag:s23], $0x1  }
0xa3: {  	[sflag:s23] =	ssyncset.done $0x0  }
0xa4: {  	s25 =	simm.s32 $0x1B8E;
	s24 =	sld [smem:$0x3FFE];
	[sflag:s23] =	ssyncadd.s32 $0xFFFFFFFF  }
0xa5: {  	s26 =	simm.s32 $execute0_lowered;
	[smem:$0x3FD2] =	sst s25  }
0xa6: {  	s5 =	sshll.u32 s26, $0x1;
	_ =	strace $0x80000046;
	[dreg:$0x1] =	wrdreg $0xFFFFFFFF  }
0xa7: {  	s28 =	simm.s32 $_size_execute0_lowered;
	s3 =	sadd.s32 s3, s5;
	[dreg:$0x0] =	wrdreg $0x0  }
0xa8: {  	s5 =	sshll.u32 s28, $0x1;
	[dreg:$0x2] =	wrdreg s3  }
0xa9: {  	[dreg:$0x3] =	wrdreg s5  }
0xaa: {  	[dreg:$0x4] =	wrdreg $0xC0  }
0xab: {  	_ =	task [dreg:s7], $0x5FFFF  }
0xac: {  	[dreg:$0x1] =	wrdreg $0xFFFFFFFF  }
0xad: {  	[dreg:$0x0] =	wrdreg $0x60  }
0xae: {  	[dreg:$0x2] =	wrdreg s2  }
0xaf: {  	[dreg:$0x3] =	wrdreg s24  }
0xb0: {  	[dreg:$0x4] =	wrdreg $0x9  }
0xb1: {  	_ =	task.clear_ibuf [dreg:s7], $0x5FFFF;
	_ =	strace $0x90000046  }
0xb2: {  	s29 =	simm.s32 $0x9;
	_ =	strace $0x80000048  }
0xb3: {  	_ =	swait.ge [sflag:s29], $0x1  }
0xb4: {  	[sflag:s29] =	ssyncadd.s32 $0xFFFFFFFF  }
0xb5: {  	_ =	strace $0x90000048  }
0xb6: {  	_ =	sfence  }
0xb7: {  	s30 =	sld [smem:$0x0];
	_ =	sdelay $0x2  }
0xb8: {  	s31 =	sshll.u32 s1, $0xD;
	s1 =	sshrl.u32 s1, $0x2  }
0xb9: {  	s3 =	sand.u32 $0x4000, s31;
	s1 =	sadd.s32 s1, s30  }
0xba: {  	s0 =	sor.u32 s3, s0;
	s1 =	sshll.u32 s1, $0x11  }
0xbb: {  	s0 =	sor.u32 s1, s0  }
0xbc: {  	s0 =	sadd.s32 $0x8F2B, s0  }
0xbd: {  	[sflag:s0] =	ssyncadd.remote.s32 $0x1  }
0xbe: {  	_ =	sfence.sel $0xFFFF  }
0xbf: {  	[dreg:$0x0] =	wrdreg $0xFFFFFFFF;
	(pc) =	sbr.abs _section_cstart, $3  }
0xc0: {  	[dreg:$0x1] =	wrdreg $0xFFFFFFFF  }
0xc1: {  	_ =	task.clear_ibuf [dreg:s7], $0x2FFFF;
	_ =	strace $0x9FFFFFFF  }
0xc2: {  	(tm) =	ssettm $0x7FFFFFFF  }
0xc3: {  	_ =	shalt  }
tec
execute0_lowered:
.L_overlay_start_1:
0x0: {  	(tag) =	ssettag $0x1  }
0x1: {  	s1 =	rddreg [dreg:$0x0]  }
0x2: {  	s11 =	rddreg [dreg:$0x1]  }
0x3: {  	s0 =	rddreg [dreg:$0x2];
	s4 =	srdreg.scid;
	s3 =	simm.s32 $0x0  }
0x4: {  	s2 =	stileid.u32;
	s13 =	simm.s32 $0x80;
	s14 =	simm.s32 $0x1  }
0x5: {  	s15 =	simm.s32 $0x100;
	s16 =	simm.s32 $0x3;
	s17 =	simm.s32 $0x2  }
0x6: {  	s18 =	simm.s32 $0x4100;
	s19 =	simm.s32 $0x4;
	s20 =	simm.s32 $0x5  }
0x7: {  	s21 =	simm.s32 $0x6;
	s22 =	simm.s32 $0x0;
	s6 =	sand.u32 $0x1, s4  }
0x8: {  	[smem:$0x7FF] =	sst s3;
	s5 =	sshll.u32 s2, $0x8;
	s4 =	sadd.s32 $0x800, s11  }
0x9: {  	s7 =	sshll.u32 s6, $0x7;
	_ =	strace $0x80000047;
	s30 =	ssub.s32 $0x2, s6  }
.Ltmp0:
0xa: {  	s9 =	sor.u32 s7, s5;
	s5 =	sadd.s32 $0xF42C00, s11;
	(pc) =	sbr.rel .LBB2_1-.Ltmp0, $4  }
0xb: {  	s8 =	sshrl.u32 s30, $0x1;
	s11 =	sadd.s32 $0xF4AC00, s11;
	s31 =	sshrl.u32 s9, $0x3  }
0xc: {  	s10 =	sshll.u32 s9, $0x4;
	s12 =	ssub.s32 s30, s8;
	s8 =	sor.u32 $0x2000, s9  }
0xd: {  	s9 =	sor.u32 $0x3000, s9;
	s6 =	sadd.s32 s1, s31;
	s10 =	sor.u32 s2, s10  }
0xe: {  	s12 =	smax.u32 s12, $0x1;
	s7 =	sadd.s32 $0x200, s6;
	s10 =	sand.u32 $0x7808, s10  }
.LBB2_11:
0xf: {  	s22 =	sadd.s32 $0x1, s22  }
0x10: {  	_ =	swait.ge [sflag:s20], $0x2000;
	p0 =	sne.s32 s22, s12  }
.Ltmp1:
0x11: {  	[sflag:s20] =	ssyncset.done $0x0;
	(pc) =	sbr.rel @!p0 .LBB2_12-.Ltmp1, $4  }
0x12: {  	[sflag:s20] =	ssyncadd.s32 $0xFFFFE000  }
0x13: {  	_ =	swait.ge [sflag:s21], $0x2000  }
0x14: {  	[sflag:s21] =	ssyncset.done $0x0  }
0x15: {  	[sflag:s21] =	ssyncadd.s32 $0xFFFFE000  }
.LBB2_1:
0x16: {  	[tilespmem:s3], [sflag:$0x1] =	stream.linear.gather [hbm4b:s6+s3], $0x80, $0x38;
	[tilespmem:$0x8100] =	vst v63  }
0x17: {  	_ = 	snop  }
0x18: {  	[tilespmem:s13], [sflag:$0x2] =	stream.linear.gather [hbm4b:s7+s3], $0x80, $0x38;
	[tilespmem:$0x8100] =	vst v63  }
0x19: {  	_ =	swait.ge [sflag:s14], $0x80  }
0x1a: {  	[sflag:s14] =	ssyncset.done $0x0  }
0x1b: {  	s23 =	simm.s32 $0x0;
	[sflag:s14] =	ssyncadd.s32 $0xFFFFFF80  }
0x1c: {  	[tilespmem:s15], [sflag:$0x3] =	stream.indirect.gather [hbm4b:s4+s13], $0x80, s3, s13, $0xb8;
	[tilespmem:$0x8100] =	vst v63  }
.LBB2_2:
0x1d: {  	p0 =	seq.s32 s23, $0x63  }
0x1e: {  	p1 =	seq.s32 @!p0 s23, $0x0  }
0x1f: {  	p1 =	por p0, !p1  }
.Ltmp2:
0x20: {  	s24 =	sshll.u32 @!p0 s23, $0xD;
	(pc) =	sbr.rel @!p1 .LBB2_3-.Ltmp2, $4  }
0x21: {  	_ =	swait.ge [sflag:s16], $0x4000;
	s25 =	sadd.s32 @!p0 s8, s24  }
0x22: {  	[sflag:s16] =	ssyncset.done $0x0;
	s25 =	sshrl.u32 @!p0 s25, $0x3  }
0x23: {  	s26 =	simm.s32 @!p0 $0x0;
	[sflag:s16] =	ssyncadd.s32 $0xFFFFC000;
	s25 =	sadd.s32 @!p0 s1, s25  }
0x24: {  	[tilespmem:s26], [sflag:$0x1] =	stream.linear.gather @!p0 [hbm4b:s25+s26], $0x80, $0x38;
	[tilespmem:$0x8100] =	vst v63  }
.Ltmp3:
0x25: {  	(pc) =	sbr.rel .LBB2_5-.Ltmp3, $4  }
0x26: {  	_ = 	snop  }
0x27: {  	_ =	swait.ge [sflag:s20], $0x2000  }
0x28: {  	[sflag:s20] =	ssyncset.done $0x0  }
0x29: {  	p1 =	por $0x0, $0x0;
	[sflag:s20] =	ssyncadd.s32 $0xFFFFE000  }
.LBB2_3:
0x2a: {  	p1 =	por @!p0 $0x1, $0x1  }
.LBB2_5:
0x2b: {  	s25 =	sshll.u32 s23, $0x10  }
0x2c: {  	s25 =	sor.u32 s10, s25  }
0x2d: {  	s28 =	simm.s32 $0x100;
	s26 =	sadd.s32 s5, s25  }
0x2e: {  	s29 =	simm.s32 $0x10;
	s30 =	simm.s32 $0x180;
	s31 =	sadd.s32 $0x0, s26  }
.LBB2_6:
0x2f: {  	[hbm4b:s31+s3] =	stream.linear.scatter [tilespmem:s28], [sflag:$0x5], $0x40, $0x38;
	[tilespmem:$0x8100] =	vst v63  }
0x30: {  	s31 =	smov.u32 s29;
	s28 =	smov.u32 s30;
	p2 =	sne.s32 s29, $0x7F0  }
.Ltmp4:
0x31: {  	s29 =	sadd.s32 $0x10, s29;
	(pc) =	sbr.rel @p2 .LBB2_6-.Ltmp4, $2  }
0x32: {  	_ =	sdelay $0x2  }
0x33: {  	s30 =	sadd.s32 $0x80, s30;
	s31 =	sadd.s32 s31, s26  }
0x34: {  	[hbm4b:s31+s3] =	stream.linear.scatter [tilespmem:s28], [sflag:$0x5], $0x40, $0x38;
	[tilespmem:$0x8100] =	vst v63  }
0x35: {  	_ =	swait.ge [sflag:s17], $0x80  }
0x36: {  	[sflag:s17] =	ssyncset.done $0x0  }
0x37: {  	[sflag:s17] =	ssyncadd.s32 $0xFFFFFF80  }
0x38: {  	[tilespmem:s18], [sflag:$0x4] =	stream.indirect.gather [hbm4b:s4+s13], $0x80, s13, s13, $0xb8;
	[tilespmem:$0x8100] =	vst v63  }
0x39: {  	s24 =	sadd.s32 @!p0 s9, s24;
	s26 =	simm.s32 @!p0 $0x0;
	_ =	swait.ge [sflag:s19], $0x4000  }
0x3a: {  	s28 =	simm.s32 @!p0 $0x80;
	s24 =	sshrl.u32 @!p0 s24, $0x3;
	[sflag:s19] =	ssyncset.done $0x0  }
0x3b: {  	p1 =	por p0, !p1;
	s24 =	sadd.s32 @!p0 s1, s24;
	[sflag:s19] =	ssyncadd.s32 $0xFFFFC000  }
0x3c: {  	[tilespmem:s28], [sflag:$0x2] =	stream.linear.gather @!p0 [hbm4b:s24+s26], $0x80, $0x38;
	[tilespmem:$0x8100] =	vst v63  }
0x3d: {  	s24 =	sadd.s32 s25, s11;
	_ =	swait.ge @p1 [sflag:s21], $0x2000  }
0x3e: {  	s25 =	simm.s32 $0x4100;
	s26 =	simm.s32 $0x10;
	[sflag:s21] =	ssyncset.done @p1 $0x0  }
0x3f: {  	s28 =	simm.s32 $0x4180;
	s29 =	sadd.s32 $0x0, s24;
	[sflag:s21] =	ssyncadd.s32 @p1 $0xFFFFE000  }
.LBB2_8:
0x40: {  	[hbm4b:s29+s3] =	stream.linear.scatter [tilespmem:s25], [sflag:$0x6], $0x40, $0x38;
	[tilespmem:$0x8100] =	vst v63  }
0x41: {  	s29 =	smov.u32 s26;
	s25 =	smov.u32 s28;
	p1 =	sne.s32 s26, $0x7F0  }
.Ltmp5:
0x42: {  	s26 =	sadd.s32 $0x10, s26;
	(pc) =	sbr.rel @p1 .LBB2_8-.Ltmp5, $2  }
0x43: {  	_ =	sdelay $0x2  }
0x44: {  	s28 =	sadd.s32 $0x80, s28;
	s29 =	sadd.s32 s29, s24  }
.Ltmp6:
0x45: {  	(pc) =	sbr.rel @p0 .LBB2_11-.Ltmp6, $2  }
0x46: {  	_ =	sdelay $0x2  }
0x47: {  	[hbm4b:s29+s3] =	stream.linear.scatter [tilespmem:s25], [sflag:$0x6], $0x40, $0x38;
	[tilespmem:$0x8100] =	vst v63  }
.Ltmp7:
0x48: {  	(pc) =	sbr.rel .LBB2_2-.Ltmp7, $4  }
0x49: {  	_ =	swait.ge [sflag:s14], $0x80  }
0x4a: {  	[sflag:s14] =	ssyncset.done $0x0  }
0x4b: {  	s23 =	sadd.s32 $0x1, s23;
	[sflag:s14] =	ssyncadd.s32 $0xFFFFFF80  }
0x4c: {  	[tilespmem:s15], [sflag:$0x3] =	stream.indirect.gather [hbm4b:s4+s13], $0x80, s3, s13, $0xb8;
	[tilespmem:$0x8100] =	vst v63  }
.LBB2_12:
0x4d: {  	_ =	sfence.sel $0x180000  }
0x4e: {  	[bflag:$0x0] =	sbarrier.arrive $0xFFFF  }
0x4f: {  	p0 =	sne.s32 s2, $0x0;
	_ =	strace $0x90000047  }
0x50: {  	s0 =	sadd.s32 @!p0 $0x100000, s0;
	[bflag:$0x2] =	sbarrier.arrive $0xFFFF  }
0x51: {  	[sflag:s0] =	ssyncadd.tile.s32 @!p0 $0x1;
	_ =	shalt  }
.Lfunc_end2:
_tile_overlayer_lowered:
.L_overlay_start_2:
0x52: {  	(tag) =	ssettag $0x2  }
0x53: {  	s0 =	rddreg [dreg:$0x0];
	s2 =	stileid.u32  }
0x54: {  	s1 =	rddreg [dreg:$0x1];
	p0 =	sne.s32 s2, $0x0  }
0x55: {  	s3 =	rddreg [dreg:$0x2];
	[bflag:$0x3] =	sbarrier.arrive $0xFFFF;
	s2 =	simm.s32 @!p0 $0x1C07  }
0x56: {  	[timem:s3], [sflag:s2] =	dma.local @!p0 [hbm:s0], s1  }
0x57: {  	s0 =	simm.s32 @!p0 $0x7  }
0x58: {  	_ =	swait.ge @!p0 [sflag:s0], s1  }
0x59: {  	s1 =	ssub.s32 @!p0 $0x0, s1;
	[sflag:s0] =	ssyncset.done @!p0 $0x0  }
0x5a: {  	[sflag:s0] =	ssyncadd.s32 @!p0 s1  }
0x5b: {  	[bflag:$0x3] =	sbarrier.arrive $0xFFFF  }
0x5c: {  	_ =	shalt  }

</sc_bundles>
